<compile_context>
chip_gen: v7x
topology: tpu7x:2x2x1
jax: 0.10.2.dev20260603
libtpu: 0.0.44.dev20260713+nightly
codegen_flags: <defaults>
</compile_context>

<pallas_src>
import functools

import jax
import jax.numpy as jnp
from jax import lax
from jax.experimental import pallas as pl
from jax.experimental.pallas import tpu as pltpu
from jax.experimental.pallas import tpu_sc as plsc

_K = 8192
_D = 256
_TR = 256
_INV_T = 100.0
_LN2 = 0.6931471805599453
_C2 = _INV_T / _LN2
_EPS = 1e-8
_COMMIT_W = 0.25
_ENTROPY_W = 0.1

_SC_NC = 2
_SC_NS = 16
_SC_NW = _SC_NC * _SC_NS


def _vq_tc_body(x_ref, cb_ref, x2_ref, y2_ref, enc_ref, idx_ref, scal_ref,
                riota_ref, psum_ref, acc_ref, ebuf_ref, esem):
    step = pl.program_id(0)
    nsteps = pl.num_programs(0)
    x = x_ref[...]
    cb = cb_ref[...]

    def _enc_copy(i, slot):
        return pltpu.make_async_copy(
            ebuf_ref.at[slot], enc_ref.at[pl.ds(i * _TR, _TR)], esem.at[slot])

    slot = lax.rem(step, 2)

    @pl.when(step == 0)
    def _precompute_iota():
        riota_ref[...] = lax.broadcasted_iota(jnp.int32, (1, _K), 1)

    xym2 = lax.dot_general(-2.0 * x, cb, (((1,), (1,)), ((), ())),
                           preferred_element_type=jnp.float32)
    d2 = jnp.maximum(x2_ref[...] + y2_ref[...] + xym2, 0.0)

    dist = jnp.sqrt(d2)
    dmin = jnp.min(dist, axis=1, keepdims=True)
    kiota = riota_ref[...]
    idx = jnp.min(jnp.where(dist == dmin, kiota, _K), axis=1)

    @pl.when(step >= 2)
    def _drain_prev():
        _enc_copy(step - 2, slot).wait()

    ebuf_ref[slot] = (kiota == idx[:, None]).astype(jnp.float32)
    _enc_copy(step, slot).start()

    @pl.when(step == nsteps - 1)
    def _drain_tail():
        @pl.when(nsteps > 1)
        def _():
            _enc_copy(step - 1, 1 - slot).wait()
        _enc_copy(step, slot).wait()

    idx_ref[0, 0, :] = idx

    g2 = _C2 * (dmin - dist)
    e = jnp.exp2(g2)
    z = jnp.sum(e, axis=1, keepdims=True)
    t2 = jnp.sum(e * g2, axis=1, keepdims=True)
    ent_rows = jnp.log(z) - _LN2 * (t2 / z)

    @pl.when(step == 0)
    def _init():
        psum_ref[...] = jnp.zeros_like(psum_ref)
        acc_ref[0] = 0.0
        acc_ref[1] = 0.0

    psum_ref[...] += jnp.sum(e * (1.0 / z), axis=0, keepdims=True)
    acc_ref[0] += jnp.sum(dmin * dmin)
    acc_ref[1] += jnp.sum(ent_rows)

    @pl.when(step == nsteps - 1)
    def _losses():
        ntok = nsteps * _TR
        avg_probs = psum_ref[...] * (1.0 / ntok)
        avg_entropy = -jnp.sum(avg_probs * jnp.log(avg_probs + _EPS))
        sample_entropy = acc_ref[1] / ntok
        mean_l2 = 0.5 * acc_ref[0] / (ntok * _D)
        codebook_loss = mean_l2
        commit_loss = mean_l2 * _COMMIT_W
        entropy_loss = (sample_entropy - avg_entropy) * _ENTROPY_W
        scal_ref[0] = codebook_loss + commit_loss + entropy_loss
        scal_ref[1] = commit_loss
        scal_ref[2] = codebook_loss
        scal_ref[3] = entropy_loss


def _vq_tc(x2d, cb):
    n = x2d.shape[0]
    nb = n // _TR
    out_shape = (
        jax.ShapeDtypeStruct((n, _K), jnp.float32),
        jax.ShapeDtypeStruct((nb, 1, _TR), jnp.int32),
        jax.ShapeDtypeStruct((4,), jnp.float32),
    )
    return pl.pallas_call(
        _vq_tc_body,
        grid=(nb,),
        in_specs=[
            pl.BlockSpec((_TR, _D), lambda i: (i, 0)),
            pl.BlockSpec((_K, _D), lambda i: (0, 0)),
            pl.BlockSpec((_TR, 1), lambda i: (i, 0)),
            pl.BlockSpec((1, _K), lambda i: (0, 0)),
        ],
        out_specs=(
            pl.BlockSpec(memory_space=pltpu.MemorySpace.HBM),
            pl.BlockSpec((1, 1, _TR), lambda i: (i, 0, 0)),
            pl.BlockSpec(memory_space=pltpu.MemorySpace.SMEM),
        ),
        out_shape=out_shape,
        scratch_shapes=[
            pltpu.VMEM((1, _K), jnp.int32),
            pltpu.VMEM((1, _K), jnp.float32),
            pltpu.SMEM((2,), jnp.float32),
            pltpu.VMEM((2, _TR, _K), jnp.float32),
            pltpu.SemaphoreType.DMA((2,)),
        ],
        compiler_params=pltpu.CompilerParams(
            dimension_semantics=("arbitrary",)),
    )(x2d, cb,
      jnp.sum(x2d * x2d, axis=-1, keepdims=True),
      jnp.sum(cb * cb, axis=-1)[None, :])


def _sc_gather(cb, idx_flat):
    n = idx_flat.shape[0]
    bpw = n // _SC_NW
    half = bpw // 2
    mesh = plsc.VectorSubcoreMesh(core_axis_name="c", subcore_axis_name="s")

    @functools.partial(
        pl.kernel,
        mesh=mesh,
        out_type=jax.ShapeDtypeStruct((n, _D), jnp.float32),
        scratch_types=[
            pltpu.VMEM((2, half), jnp.int32),
            pltpu.VMEM((bpw, _D), jnp.float32),
            pltpu.SemaphoreType.DMA,
        ],
    )
    def gather_k(cb_hbm, idx_hbm, out_hbm, idx_v, rows_v, sem):
        wid = lax.axis_index("s") * _SC_NC + lax.axis_index("c")
        base = wid * bpw
        for j in range(2):
            pltpu.sync_copy(idx_hbm.at[pl.ds(base + j * half, half)],
                            idx_v.at[j])
        copies = [
            pltpu.async_copy(cb_hbm.at[idx_v.at[j]],
                             rows_v.at[pl.ds(j * half, half)], sem)
            for j in range(2)
        ]
        for c in copies:
            c.wait()
        pltpu.sync_copy(rows_v, out_hbm.at[pl.ds(base, bpw)])

    return gather_k(cb, idx_flat)


def kernel(x, codebook):
    b, s, d = x.shape
    n = b * s
    x2d = x.reshape(n, d)
    enc, idx3, scal = _vq_tc(x2d, codebook)

    idx_flat = idx3.reshape(n)
    quantized = _sc_gather(codebook, idx_flat).reshape(b, s, d)

    loss = scal[0]
    commit_loss = scal[1]
    codebook_loss = scal[2]
    entropy_loss = scal[3]

    encodings = enc.reshape(b, s, _K)
    indices = idx_flat.reshape(b, s)
    return (quantized, loss, commit_loss, codebook_loss, entropy_loss,
            encodings, indices)

# --- scband reference (transcript-rebuilt; emitter-appended) ---
"""Pipeline reference for scband-vector-quantizer-7275674599497 (READ-ONLY COPY).

The authoritative reference and input builder live on the scoring server;
editing this copy changes nothing except your own understanding.
"""

import jax, jax.numpy as jnp
import numpy as np

K = 8192
D = 256
COMMIT_W = 0.25
ENTROPY_W = 0.1
ENTROPY_T = 0.01
EPS = 1e-08


def cdist(x, y):
    # Euclidean distance via the ||x||^2 + ||y||^2 - 2 x.y expansion
    # (mathematically identical to jnp.linalg.norm(x[...,None,:]-y[None,:,:], axis=-1)
    # but avoids materializing the (B,S,K,D) difference tensor).
    x2 = jnp.sum(x * x, axis=-1, keepdims=True)            # (B, S, 1)
    y2 = jnp.sum(y * y, axis=-1)                            # (K,)
    xy = jnp.einsum('bsd,kd->bsk', x, y)                    # (B, S, K)
    d2 = jnp.maximum(x2 + y2 - 2.0 * xy, 0.0)
    return jnp.sqrt(d2)


def l2_loss(pred, target):
    # optax.l2_loss = 0.5 * (pred - target)^2
    return 0.5 * jnp.square(pred - target)


def calc_entropy_loss(affinity, temperature=1.0, eps=1e-08):
    flat_affinity = affinity.reshape((-1, affinity.shape[-1]))
    flat_affinity = flat_affinity / temperature
    probs = jax.nn.softmax(flat_affinity, axis=-1)
    log_probs = jax.nn.log_softmax(flat_affinity + eps, axis=-1)
    target_probs = probs
    avg_probs = jnp.mean(target_probs, axis=0)
    avg_entropy = -jnp.sum(avg_probs * jnp.log(avg_probs + eps))
    sample_entropy = -jnp.mean(jnp.sum(target_probs * log_probs, axis=-1))
    return sample_entropy - avg_entropy


def setup_inputs(seed: int = 0) -> dict:
    key = jax.random.key(seed)
    kx, kc = jax.random.split(key)
    x = jax.random.normal(kx, (8, 576, D), dtype=jnp.float32)
    # flax variance_scaling(scale=1.0, mode='fan_in', distribution='uniform')
    # on shape (K, D): fan_in = D, limit = sqrt(3 * scale / fan_in)
    limit = float(np.sqrt(3.0 / D))
    codebook = jax.random.uniform(kc, (K, D), dtype=jnp.float32, minval=-limit, maxval=limit)
    return {"x": x, "codebook": codebook}


def reference(x, codebook):
    distances = cdist(x, codebook)                           # (B, S, K)
    indices = jnp.argmin(distances, axis=-1)                 # (B, S)
    encodings = jax.nn.one_hot(indices, K, dtype=jnp.float32)  # (B, S, K)
    quantized = jnp.dot(encodings, codebook)                 # (B, S, D)
    commit_loss = jnp.mean(l2_loss(x, jax.lax.stop_gradient(quantized))) * COMMIT_W
    codebook_loss = jnp.mean(l2_loss(jax.lax.stop_gradient(x), quantized))
    entropy_loss = calc_entropy_loss(-distances, ENTROPY_T, EPS) * ENTROPY_W
    loss = codebook_loss + commit_loss + entropy_loss
    quantized_st = x + jax.lax.stop_gradient(quantized - x)
    return (quantized_st, loss, commit_loss, codebook_loss, entropy_loss, encodings, indices)

if __name__ == "__main__":
    import jax
    _d = setup_inputs()
    print(jax.jit(kernel)(*tuple(_d.values())))

</pallas_src>

<mosaic_0001>
#map = affine_map<(d0, d1) -> (0, 0)>
#map1 = affine_map<(d0, d1) -> (0)>
module attributes {stable_mosaic.version = 14 : i64} {
  func.func @gather_k(%arg0: i32, %arg1: i32, %arg2: memref<8192x256xf32, #tpu.memory_space<hbm>>, %arg3: memref<4608xi32, #tpu.memory_space<hbm>>, %arg4: memref<4608x256xf32, #tpu.memory_space<hbm>>, %arg5: memref<2x72xi32, #tpu.memory_space<vmem>>, %arg6: memref<144x256xf32, #tpu.memory_space<vmem>>, %arg7: memref<!tpu.dma_semaphore, #tpu.memory_space<semaphore_mem>>) attributes {dimension_semantics = [#tpu.dimension_semantics<core_parallel>, #tpu.dimension_semantics<subcore_parallel>], iteration_bounds = array<i64: 2, 16>, scalar_prefetch = 0 : i64, scratch_operands = 3 : i64, tpu.core_type = #tpu.core_type<sc_vector_subcore>, window_params = [{transform_indices = #map}, {transform_indices = #map1}, {transform_indices = #map}]} {
    %mul3A = arith.constant 2 : i32
    %mul3A_0 = arith.muli %arg1, %mul3A : i32
    %add3A = arith.addi %mul3A_0, %arg0 : i32
    %mul3A_1 = arith.constant 144 : i32
    %mul3A_2 = arith.muli %add3A, %mul3A_1 : i32
    %add3A_3 = arith.constant 0 : i32
    %add3A_4 = arith.addi %mul3A_2, %add3A_3 : i32
    %run_scoped3A = arith.constant 0 : i32
    "tpu.region"() ({
      %run_scoped3A_46 = tpu.sem_alloc : memref<!tpu.dma_semaphore, #tpu.memory_space<semaphore_mem>>
      %dma_start3A_47 = arith.constant 0 : i32
      %dma_start3A_48 = tpu.memref_slice %arg5[%run_scoped3A, %dma_start3A_47] : memref<2x72xi32, #tpu.memory_space<vmem>> -> memref<1x72xi32, #tpu.memory_space<vmem>>
      %dma_start3A_49 = tpu.memref_squeeze %dma_start3A_48 : memref<1x72xi32, #tpu.memory_space<vmem>> -> memref<72xi32, #tpu.memory_space<vmem>>
      %dma_start3A_50 = tpu.memref_slice %arg3[%add3A_4] : memref<4608xi32, #tpu.memory_space<hbm>> -> memref<72xi32, #tpu.memory_space<hbm>>
      %dma_start3A_51 = arith.constant 0 : i32
      %dma_start3A_52 = tpu.memref_slice %arg5[%run_scoped3A, %dma_start3A_51] : memref<2x72xi32, #tpu.memory_space<vmem>> -> memref<1x72xi32, #tpu.memory_space<vmem>>
      %dma_start3A_53 = tpu.memref_squeeze %dma_start3A_52 : memref<1x72xi32, #tpu.memory_space<vmem>> -> memref<72xi32, #tpu.memory_space<vmem>>
      %dma_start3A_54 = tpu.memref_slice %arg3[%add3A_4] : memref<4608xi32, #tpu.memory_space<hbm>> -> memref<72xi32, #tpu.memory_space<hbm>>
      tpu.enqueue_dma source(%dma_start3A_54 : memref<72xi32, #tpu.memory_space<hbm>>) target(%dma_start3A_53 : memref<72xi32, #tpu.memory_space<vmem>>) target_semaphore(%run_scoped3A_46 : memref<!tpu.dma_semaphore, #tpu.memory_space<semaphore_mem>>)
      %dma_wait3A_55 = arith.constant 0 : i32
      %dma_wait3A_56 = tpu.memref_slice %arg5[%run_scoped3A, %dma_wait3A_55] : memref<2x72xi32, #tpu.memory_space<vmem>> -> memref<1x72xi32, #tpu.memory_space<vmem>>
      %dma_wait3A_57 = tpu.memref_squeeze %dma_wait3A_56 : memref<1x72xi32, #tpu.memory_space<vmem>> -> memref<72xi32, #tpu.memory_space<vmem>>
      %dma_wait3A_58 = tpu.memref_slice %arg3[%add3A_4] : memref<4608xi32, #tpu.memory_space<hbm>> -> memref<72xi32, #tpu.memory_space<hbm>>
      %dma_wait3A_59 = arith.constant 0 : i32
      %dma_wait3A_60 = tpu.memref_slice %arg5[%run_scoped3A, %dma_wait3A_59] : memref<2x72xi32, #tpu.memory_space<vmem>> -> memref<1x72xi32, #tpu.memory_space<vmem>>
      %dma_wait3A_61 = tpu.memref_squeeze %dma_wait3A_60 : memref<1x72xi32, #tpu.memory_space<vmem>> -> memref<72xi32, #tpu.memory_space<vmem>>
      %dma_wait3A_62 = tpu.memref_slice %arg3[%add3A_4] : memref<4608xi32, #tpu.memory_space<hbm>> -> memref<72xi32, #tpu.memory_space<hbm>>
      tpu.wait_dma2 semaphore(%run_scoped3A_46 : memref<!tpu.dma_semaphore, #tpu.memory_space<semaphore_mem>>) src(%dma_wait3A_62 : memref<72xi32, #tpu.memory_space<hbm>>) dst(%dma_wait3A_61 : memref<72xi32, #tpu.memory_space<vmem>>)
      tpu.yield
    }) : () -> ()
    %add3A_5 = arith.constant 72 : i32
    %add3A_6 = arith.addi %mul3A_2, %add3A_5 : i32
    %run_scoped3A_7 = arith.constant 1 : i32
    "tpu.region"() ({
      %run_scoped3A_46 = tpu.sem_alloc : memref<!tpu.dma_semaphore, #tpu.memory_space<semaphore_mem>>
      %dma_start3A_47 = arith.constant 0 : i32
      %dma_start3A_48 = tpu.memref_slice %arg5[%run_scoped3A_7, %dma_start3A_47] : memref<2x72xi32, #tpu.memory_space<vmem>> -> memref<1x72xi32, #tpu.memory_space<vmem>>
      %dma_start3A_49 = tpu.memref_squeeze %dma_start3A_48 : memref<1x72xi32, #tpu.memory_space<vmem>> -> memref<72xi32, #tpu.memory_space<vmem>>
      %dma_start3A_50 = tpu.memref_slice %arg3[%add3A_6] : memref<4608xi32, #tpu.memory_space<hbm>> -> memref<72xi32, #tpu.memory_space<hbm>>
      %dma_start3A_51 = arith.constant 0 : i32
      %dma_start3A_52 = tpu.memref_slice %arg5[%run_scoped3A_7, %dma_start3A_51] : memref<2x72xi32, #tpu.memory_space<vmem>> -> memref<1x72xi32, #tpu.memory_space<vmem>>
      %dma_start3A_53 = tpu.memref_squeeze %dma_start3A_52 : memref<1x72xi32, #tpu.memory_space<vmem>> -> memref<72xi32, #tpu.memory_space<vmem>>
      %dma_start3A_54 = tpu.memref_slice %arg3[%add3A_6] : memref<4608xi32, #tpu.memory_space<hbm>> -> memref<72xi32, #tpu.memory_space<hbm>>
      tpu.enqueue_dma source(%dma_start3A_54 : memref<72xi32, #tpu.memory_space<hbm>>) target(%dma_start3A_53 : memref<72xi32, #tpu.memory_space<vmem>>) target_semaphore(%run_scoped3A_46 : memref<!tpu.dma_semaphore, #tpu.memory_space<semaphore_mem>>)
      %dma_wait3A_55 = arith.constant 0 : i32
      %dma_wait3A_56 = tpu.memref_slice %arg5[%run_scoped3A_7, %dma_wait3A_55] : memref<2x72xi32, #tpu.memory_space<vmem>> -> memref<1x72xi32, #tpu.memory_space<vmem>>
      %dma_wait3A_57 = tpu.memref_squeeze %dma_wait3A_56 : memref<1x72xi32, #tpu.memory_space<vmem>> -> memref<72xi32, #tpu.memory_space<vmem>>
      %dma_wait3A_58 = tpu.memref_slice %arg3[%add3A_6] : memref<4608xi32, #tpu.memory_space<hbm>> -> memref<72xi32, #tpu.memory_space<hbm>>
      %dma_wait3A_59 = arith.constant 0 : i32
      %dma_wait3A_60 = tpu.memref_slice %arg5[%run_scoped3A_7, %dma_wait3A_59] : memref<2x72xi32, #tpu.memory_space<vmem>> -> memref<1x72xi32, #tpu.memory_space<vmem>>
      %dma_wait3A_61 = tpu.memref_squeeze %dma_wait3A_60 : memref<1x72xi32, #tpu.memory_space<vmem>> -> memref<72xi32, #tpu.memory_space<vmem>>
      %dma_wait3A_62 = tpu.memref_slice %arg3[%add3A_6] : memref<4608xi32, #tpu.memory_space<hbm>> -> memref<72xi32, #tpu.memory_space<hbm>>
      tpu.wait_dma2 semaphore(%run_scoped3A_46 : memref<!tpu.dma_semaphore, #tpu.memory_space<semaphore_mem>>) src(%dma_wait3A_62 : memref<72xi32, #tpu.memory_space<hbm>>) dst(%dma_wait3A_61 : memref<72xi32, #tpu.memory_space<vmem>>)
      tpu.yield
    }) : () -> ()
    %dma_start3A = arith.constant 0 : i32
    %dma_start3A_8 = arith.constant 0 : i32
    %dma_start3A_9 = arith.constant 0 : i32
    %dma_start3A_10 = tpu.memref_slice %arg6[%dma_start3A_8, %dma_start3A_9] : memref<144x256xf32, #tpu.memory_space<vmem>> -> memref<72x256xf32, #tpu.memory_space<vmem>>
    %dma_start3A_11 = arith.constant 0 : i32
    %dma_start3A_12 = tpu.memref_slice %arg5[%dma_start3A, %dma_start3A_11] : memref<2x72xi32, #tpu.memory_space<vmem>> -> memref<1x72xi32, #tpu.memory_space<vmem>>
    %dma_start3A_13 = tpu.memref_squeeze %dma_start3A_12 : memref<1x72xi32, #tpu.memory_space<vmem>> -> memref<72xi32, #tpu.memory_space<vmem>>
    %dma_start3A_14 = arith.constant 0 : i32
    %dma_start3A_15 = arith.constant 0 : i32
    %dma_start3A_16 = tpu.memref_slice %arg2[%dma_start3A_14, %dma_start3A_15] : memref<8192x256xf32, #tpu.memory_space<hbm>> -> memref<8192x256xf32, #tpu.memory_space<hbm>>
    tpu.enqueue_indirect_dma source(%dma_start3A_16 : memref<8192x256xf32, #tpu.memory_space<hbm>>) target(%dma_start3A_10 : memref<72x256xf32, #tpu.memory_space<vmem>>) offsets(%dma_start3A_13 : memref<72xi32, #tpu.memory_space<vmem>>) semaphore(%arg7 : memref<!tpu.dma_semaphore, #tpu.memory_space<semaphore_mem>>)
    %dma_start3A_17 = arith.constant 1 : i32
    %dma_start3A_18 = arith.constant 72 : i32
    %dma_start3A_19 = arith.constant 0 : i32
    %dma_start3A_20 = tpu.memref_slice %arg6[%dma_start3A_18, %dma_start3A_19] : memref<144x256xf32, #tpu.memory_space<vmem>> -> memref<72x256xf32, #tpu.memory_space<vmem>>
    %dma_start3A_21 = arith.constant 0 : i32
    %dma_start3A_22 = tpu.memref_slice %arg5[%dma_start3A_17, %dma_start3A_21] : memref<2x72xi32, #tpu.memory_space<vmem>> -> memref<1x72xi32, #tpu.memory_space<vmem>>
    %dma_start3A_23 = tpu.memref_squeeze %dma_start3A_22 : memref<1x72xi32, #tpu.memory_space<vmem>> -> memref<72xi32, #tpu.memory_space<vmem>>
    %dma_start3A_24 = arith.constant 0 : i32
    %dma_start3A_25 = arith.constant 0 : i32
    %dma_start3A_26 = tpu.memref_slice %arg2[%dma_start3A_24, %dma_start3A_25] : memref<8192x256xf32, #tpu.memory_space<hbm>> -> memref<8192x256xf32, #tpu.memory_space<hbm>>
    tpu.enqueue_indirect_dma source(%dma_start3A_26 : memref<8192x256xf32, #tpu.memory_space<hbm>>) target(%dma_start3A_20 : memref<72x256xf32, #tpu.memory_space<vmem>>) offsets(%dma_start3A_23 : memref<72xi32, #tpu.memory_space<vmem>>) semaphore(%arg7 : memref<!tpu.dma_semaphore, #tpu.memory_space<semaphore_mem>>)
    %dma_wait3A = arith.constant 0 : i32
    %dma_wait3A_27 = arith.constant 0 : i32
    %dma_wait3A_28 = arith.constant 0 : i32
    %dma_wait3A_29 = tpu.memref_slice %arg6[%dma_wait3A_27, %dma_wait3A_28] : memref<144x256xf32, #tpu.memory_space<vmem>> -> memref<72x256xf32, #tpu.memory_space<vmem>>
    %dma_wait3A_30 = arith.constant 0 : i32
    %dma_wait3A_31 = tpu.memref_slice %arg5[%dma_wait3A, %dma_wait3A_30] : memref<2x72xi32, #tpu.memory_space<vmem>> -> memref<1x72xi32, #tpu.memory_space<vmem>>
    %dma_wait3A_32 = tpu.memref_squeeze %dma_wait3A_31 : memref<1x72xi32, #tpu.memory_space<vmem>> -> memref<72xi32, #tpu.memory_space<vmem>>
    %dma_wait3A_33 = arith.constant 0 : i32
    %dma_wait3A_34 = arith.constant 0 : i32
    %dma_wait3A_35 = tpu.memref_slice %arg2[%dma_wait3A_33, %dma_wait3A_34] : memref<8192x256xf32, #tpu.memory_space<hbm>> -> memref<8192x256xf32, #tpu.memory_space<hbm>>
    tpu.wait_indirect_dma semaphore(%arg7 : memref<!tpu.dma_semaphore, #tpu.memory_space<semaphore_mem>>) src(%dma_wait3A_35 : memref<8192x256xf32, #tpu.memory_space<hbm>>) dst(%dma_wait3A_29 : memref<72x256xf32, #tpu.memory_space<vmem>>)
    %dma_wait3A_36 = arith.constant 1 : i32
    %dma_wait3A_37 = arith.constant 72 : i32
    %dma_wait3A_38 = arith.constant 0 : i32
    %dma_wait3A_39 = tpu.memref_slice %arg6[%dma_wait3A_37, %dma_wait3A_38] : memref<144x256xf32, #tpu.memory_space<vmem>> -> memref<72x256xf32, #tpu.memory_space<vmem>>
    %dma_wait3A_40 = arith.constant 0 : i32
    %dma_wait3A_41 = tpu.memref_slice %arg5[%dma_wait3A_36, %dma_wait3A_40] : memref<2x72xi32, #tpu.memory_space<vmem>> -> memref<1x72xi32, #tpu.memory_space<vmem>>
    %dma_wait3A_42 = tpu.memref_squeeze %dma_wait3A_41 : memref<1x72xi32, #tpu.memory_space<vmem>> -> memref<72xi32, #tpu.memory_space<vmem>>
    %dma_wait3A_43 = arith.constant 0 : i32
    %dma_wait3A_44 = arith.constant 0 : i32
    %dma_wait3A_45 = tpu.memref_slice %arg2[%dma_wait3A_43, %dma_wait3A_44] : memref<8192x256xf32, #tpu.memory_space<hbm>> -> memref<8192x256xf32, #tpu.memory_space<hbm>>
    tpu.wait_indirect_dma semaphore(%arg7 : memref<!tpu.dma_semaphore, #tpu.memory_space<semaphore_mem>>) src(%dma_wait3A_45 : memref<8192x256xf32, #tpu.memory_space<hbm>>) dst(%dma_wait3A_39 : memref<72x256xf32, #tpu.memory_space<vmem>>)
    "tpu.region"() ({
      %run_scoped3A_46 = tpu.sem_alloc : memref<!tpu.dma_semaphore, #tpu.memory_space<semaphore_mem>>
      %dma_start3A_47 = arith.constant 0 : i32
      %dma_start3A_48 = tpu.memref_slice %arg4[%mul3A_2, %dma_start3A_47] : memref<4608x256xf32, #tpu.memory_space<hbm>> -> memref<144x256xf32, #tpu.memory_space<hbm>>
      %dma_start3A_49 = arith.constant 0 : i32
      %dma_start3A_50 = tpu.memref_slice %arg4[%mul3A_2, %dma_start3A_49] : memref<4608x256xf32, #tpu.memory_space<hbm>> -> memref<144x256xf32, #tpu.memory_space<hbm>>
      tpu.enqueue_dma source(%arg6 : memref<144x256xf32, #tpu.memory_space<vmem>>) target(%dma_start3A_50 : memref<144x256xf32, #tpu.memory_space<hbm>>) target_semaphore(%run_scoped3A_46 : memref<!tpu.dma_semaphore, #tpu.memory_space<semaphore_mem>>)
      %dma_wait3A_51 = arith.constant 0 : i32
      %dma_wait3A_52 = tpu.memref_slice %arg4[%mul3A_2, %dma_wait3A_51] : memref<4608x256xf32, #tpu.memory_space<hbm>> -> memref<144x256xf32, #tpu.memory_space<hbm>>
      %dma_wait3A_53 = arith.constant 0 : i32
      %dma_wait3A_54 = tpu.memref_slice %arg4[%mul3A_2, %dma_wait3A_53] : memref<4608x256xf32, #tpu.memory_space<hbm>> -> memref<144x256xf32, #tpu.memory_space<hbm>>
      tpu.wait_dma2 semaphore(%run_scoped3A_46 : memref<!tpu.dma_semaphore, #tpu.memory_space<semaphore_mem>>) src(%arg6 : memref<144x256xf32, #tpu.memory_space<vmem>>) dst(%dma_wait3A_54 : memref<144x256xf32, #tpu.memory_space<hbm>>)
      tpu.yield
    }) : () -> ()
    return
  }
}

module attributes {stable_mosaic.version = 14 : i64} {
  func.func @_vq_tc_body(%arg0: i32, %arg1: memref<256x256xf32, #tpu.memory_space<vmem>>, %arg2: memref<8192x256xf32, #tpu.memory_space<vmem>>, %arg3: memref<256x1xf32, #tpu.memory_space<vmem>>, %arg4: memref<1x8192xf32, #tpu.memory_space<vmem>>, %arg5: memref<4608x8192xf32, #tpu.memory_space<hbm>>, %arg6: memref<1x1x256xi32, #tpu.memory_space<vmem>>, %arg7: memref<4xf32, #tpu.memory_space<smem>>, %arg8: memref<1x8192xi32, #tpu.memory_space<vmem>>, %arg9: memref<1x8192xf32, #tpu.memory_space<vmem>>, %arg10: memref<2xf32, #tpu.memory_space<smem>>, %arg11: memref<2x256x8192xf32, #tpu.memory_space<vmem>>, %arg12: memref<2x!tpu.dma_semaphore, #tpu.memory_space<semaphore_mem>>) attributes {dimension_semantics = [#tpu.dimension_semantics<arbitrary>], iteration_bounds = array<i64: 18>, scalar_prefetch = 0 : i64, scratch_operands = 5 : i64, tpu.core_type = #tpu.core_type<tc>, window_params = [{transform_indices = @transform_0, window_bounds = array<i64: 256, 256>}, {pipeline_mode = #tpu.pipeline_mode<synchronous>, transform_indices = @transform_1, window_bounds = array<i64: 8192, 256>}, {transform_indices = @transform_2, window_bounds = array<i64: 256, 1>}, {pipeline_mode = #tpu.pipeline_mode<synchronous>, transform_indices = @transform_3, window_bounds = array<i64: 1, 8192>}, {}, {transform_indices = @transform_5, window_bounds = array<i64: 1, 1, 256>}, {transform_indices = @transform_6, window_bounds = array<i64: 4>}]} {
    %get3A = arith.constant 0 : index
    %get3A_0 = arith.constant 0 : index
    %get3A_1 = vector.load %arg1[%get3A, %get3A_0] : memref<256x256xf32, #tpu.memory_space<vmem>>, vector<256x256xf32>
    %get3A_2 = arith.constant 0 : index
    %get3A_3 = arith.constant 0 : index
    %get3A_4 = vector.load %arg2[%get3A_2, %get3A_3] : memref<8192x256xf32, #tpu.memory_space<vmem>>, vector<8192x256xf32>
    %rem3A = arith.constant 2 : i32
    %rem3A_5 = arith.remsi %arg0, %rem3A : i32
    %eq3A = arith.constant 0 : i32
    %eq3A_6 = arith.cmpi eq, %arg0, %eq3A : i32
    %convert_element_type3A = arith.extui %eq3A_6 : i1 to i32
    %cond3A = arith.constant 0 : i32
    %cond3A_7 = arith.cmpi ne, %convert_element_type3A, %cond3A : i32
    scf.if %cond3A_7 {
      %iota3A = tpu.iota {dimensions = array<i32: 1>} : vector<1x8192xi32>
      %swap3A_128 = arith.constant 0 : index
      %swap3A_129 = arith.constant 0 : index
      %swap3A_130 = vector.load %arg8[%swap3A_128, %swap3A_129] : memref<1x8192xi32, #tpu.memory_space<vmem>>, vector<1x8192xi32>
      tpu.vector_store %arg8[%swap3A_128, %swap3A_129], %iota3A {strides = array<i32>} : memref<1x8192xi32, #tpu.memory_space<vmem>>, vector<1x8192xi32>,
    } else {
    }
    %mul3A = arith.constant -2.000000e+00 : f32
    %mul3A_8 = vector.broadcast %mul3A : f32 to vector<256x256xf32>
    %mul3A_9 = arith.mulf %mul3A_8, %get3A_1 : vector<256x256xf32>
    %dot_general3A = arith.constant dense<0.000000e+00> : vector<256x8192xf32>
    %dot_general3A_10 = tpu.matmul %mul3A_9, %get3A_4, %dot_general3A {dimension_numbers = #tpu.dot_dimension_numbers<[1], [1], [0], [0], [0, 0, 1, 0], [], []>, transpose_lhs_hint = false} : vector<256x256xf32>, vector<8192x256xf32>, vector<256x8192xf32> -> vector<256x8192xf32>
    %get3A_11 = arith.constant 0 : index
    %get3A_12 = arith.constant 0 : index
    %get3A_13 = vector.load %arg3[%get3A_11, %get3A_12] : memref<256x1xf32, #tpu.memory_space<vmem>>, vector<256x1xf32>
    %get3A_14 = arith.constant 0 : index
    %get3A_15 = arith.constant 0 : index
    %get3A_16 = vector.load %arg4[%get3A_14, %get3A_15] : memref<1x8192xf32, #tpu.memory_space<vmem>>, vector<1x8192xf32>
    %add3A = vector.broadcast %get3A_13 : vector<256x1xf32> to vector<256x8192xf32>
    %add3A_17 = vector.broadcast %get3A_16 : vector<1x8192xf32> to vector<256x8192xf32>
    %add3A_18 = arith.addf %add3A, %add3A_17 : vector<256x8192xf32>
    %add3A_19 = arith.addf %add3A_18, %dot_general3A_10 : vector<256x8192xf32>
    %max3A = arith.constant 0.000000e+00 : f32
    %max3A_20 = vector.broadcast %max3A : f32 to vector<256x8192xf32>
    %max3A_21 = arith.maximumf %add3A_19, %max3A_20 : vector<256x8192xf32>
    %sqrt3A = math.sqrt %max3A_21 : vector<256x8192xf32>
    %reduce_min3A = arith.constant dense<0x7F800000> : vector<256xf32>
    %reduce_min3A_22 = vector.multi_reduction <minimumf>, %sqrt3A, %reduce_min3A [1] : vector<256x8192xf32> to vector<256xf32>
    %broadcast_in_dim3A = vector.shape_cast %reduce_min3A_22 : vector<256xf32> to vector<256x1xf32>
    %get3A_23 = arith.constant 0 : index
    %get3A_24 = arith.constant 0 : index
    %get3A_25 = vector.load %arg8[%get3A_23, %get3A_24] : memref<1x8192xi32, #tpu.memory_space<vmem>>, vector<1x8192xi32>
    %eq3A_26 = vector.broadcast %broadcast_in_dim3A : vector<256x1xf32> to vector<256x8192xf32>
    %eq3A_27 = arith.cmpf oeq, %sqrt3A, %eq3A_26 : vector<256x8192xf32>
    %jit3A = arith.constant 8192 : i32
    %broadcast_in_dim3A_28 = vector.shape_cast %get3A_25 : vector<1x8192xi32> to vector<1x8192xi32>
    %broadcast_in_dim3A_29 = vector.broadcast %broadcast_in_dim3A_28 : vector<1x8192xi32> to vector<256x8192xi32>
    %broadcast_in_dim3A_30 = vector.broadcast %jit3A : i32 to vector<256x8192xi32>
    %select_n3A = arith.select %eq3A_27, %broadcast_in_dim3A_29, %broadcast_in_dim3A_30 : vector<256x8192xi1>, vector<256x8192xi32>
    %reduce_min3A_31 = arith.constant dense<2147483647> : vector<256xi32>
    %reduce_min3A_32 = vector.multi_reduction <minsi>, %select_n3A, %reduce_min3A_31 [1] : vector<256x8192xi32> to vector<256xi32>
    %ge3A = arith.constant 2 : i32
    %ge3A_33 = arith.cmpi sge, %arg0, %ge3A : i32
    %convert_element_type3A_34 = arith.extui %ge3A_33 : i1 to i32
    %cond3A_35 = arith.constant 0 : i32
    %cond3A_36 = arith.cmpi ne, %convert_element_type3A_34, %cond3A_35 : i32
    scf.if %cond3A_36 {
      %sub3A_128 = arith.constant 2 : i32
      %sub3A_129 = arith.subi %arg0, %sub3A_128 : i32
      %mul3A_130 = arith.constant 256 : i32
      %mul3A_131 = arith.muli %sub3A_129, %mul3A_130 : i32
      %dma_wait3A = tpu.memref_slice %arg12[%rem3A_5] : memref<2x!tpu.dma_semaphore, #tpu.memory_space<semaphore_mem>> -> memref<1x!tpu.dma_semaphore, #tpu.memory_space<semaphore_mem>>
      %dma_wait3A_132 = tpu.memref_squeeze %dma_wait3A : memref<1x!tpu.dma_semaphore, #tpu.memory_space<semaphore_mem>> -> memref<!tpu.dma_semaphore, #tpu.memory_space<semaphore_mem>>
      %dma_wait3A_133 = arith.constant 0 : i32
      %dma_wait3A_134 = tpu.memref_slice %arg5[%mul3A_131, %dma_wait3A_133] : memref<4608x8192xf32, #tpu.memory_space<hbm>> -> memref<256x8192xf32, #tpu.memory_space<hbm>>
      %dma_wait3A_135 = arith.constant 0 : i32
      %dma_wait3A_136 = arith.constant 0 : i32
      %dma_wait3A_137 = tpu.memref_slice %arg11[%rem3A_5, %dma_wait3A_135, %dma_wait3A_136] : memref<2x256x8192xf32, #tpu.memory_space<vmem>> -> memref<1x256x8192xf32, #tpu.memory_space<vmem>>
      %dma_wait3A_138 = tpu.memref_squeeze %dma_wait3A_137 : memref<1x256x8192xf32, #tpu.memory_space<vmem>> -> memref<256x8192xf32, #tpu.memory_space<vmem>>
      tpu.wait_dma2 semaphore(%dma_wait3A_132 : memref<!tpu.dma_semaphore, #tpu.memory_space<semaphore_mem>>) src(%dma_wait3A_138 : memref<256x8192xf32, #tpu.memory_space<vmem>>) dst(%dma_wait3A_134 : memref<256x8192xf32, #tpu.memory_space<hbm>>)
    } else {
    }
    %broadcast_in_dim3A_37 = vector.shape_cast %reduce_min3A_32 : vector<256xi32> to vector<256x1xi32>
    %eq3A_38 = vector.broadcast %get3A_25 : vector<1x8192xi32> to vector<256x8192xi32>
    %eq3A_39 = vector.broadcast %broadcast_in_dim3A_37 : vector<256x1xi32> to vector<256x8192xi32>
    %eq3A_40 = arith.cmpi eq, %eq3A_38, %eq3A_39 : vector<256x8192xi32>
    %convert_element_type3A_41 = arith.extui %eq3A_40 : vector<256x8192xi1> to vector<256x8192xi32>
    %convert_element_type3A_42 = arith.sitofp %convert_element_type3A_41 : vector<256x8192xi32> to vector<256x8192xf32>
    %swap3A = arith.index_cast %rem3A_5 : i32 to index
    %swap3A_43 = arith.constant 0 : index
    %swap3A_44 = arith.constant 0 : index
    %swap3A_45 = vector.load %arg11[%swap3A, %swap3A_43, %swap3A_44] : memref<2x256x8192xf32, #tpu.memory_space<vmem>>, vector<1x256x8192xf32>
    %swap3A_46 = vector.shape_cast %swap3A_45 : vector<1x256x8192xf32> to vector<256x8192xf32>
    %swap3A_47 = vector.shape_cast %convert_element_type3A_42 : vector<256x8192xf32> to vector<1x256x8192xf32>
    tpu.vector_store %arg11[%swap3A, %swap3A_43, %swap3A_44], %swap3A_47 {strides = array<i32>} : memref<2x256x8192xf32, #tpu.memory_space<vmem>>, vector<1x256x8192xf32>,
    %mul3A_48 = arith.constant 256 : i32
    %mul3A_49 = arith.muli %arg0, %mul3A_48 : i32
    %dma_start3A = tpu.memref_slice %arg12[%rem3A_5] : memref<2x!tpu.dma_semaphore, #tpu.memory_space<semaphore_mem>> -> memref<1x!tpu.dma_semaphore, #tpu.memory_space<semaphore_mem>>
    %dma_start3A_50 = tpu.memref_squeeze %dma_start3A : memref<1x!tpu.dma_semaphore, #tpu.memory_space<semaphore_mem>> -> memref<!tpu.dma_semaphore, #tpu.memory_space<semaphore_mem>>
    %dma_start3A_51 = arith.constant 0 : i32
    %dma_start3A_52 = tpu.memref_slice %arg5[%mul3A_49, %dma_start3A_51] : memref<4608x8192xf32, #tpu.memory_space<hbm>> -> memref<256x8192xf32, #tpu.memory_space<hbm>>
    %dma_start3A_53 = arith.constant 0 : i32
    %dma_start3A_54 = arith.constant 0 : i32
    %dma_start3A_55 = tpu.memref_slice %arg11[%rem3A_5, %dma_start3A_53, %dma_start3A_54] : memref<2x256x8192xf32, #tpu.memory_space<vmem>> -> memref<1x256x8192xf32, #tpu.memory_space<vmem>>
    %dma_start3A_56 = tpu.memref_squeeze %dma_start3A_55 : memref<1x256x8192xf32, #tpu.memory_space<vmem>> -> memref<256x8192xf32, #tpu.memory_space<vmem>>
    tpu.enqueue_dma source(%dma_start3A_56 : memref<256x8192xf32, #tpu.memory_space<vmem>>) target(%dma_start3A_52 : memref<256x8192xf32, #tpu.memory_space<hbm>>) target_semaphore(%dma_start3A_50 : memref<!tpu.dma_semaphore, #tpu.memory_space<semaphore_mem>>)
    %eq3A_57 = arith.constant 17 : i32
    %eq3A_58 = arith.cmpi eq, %arg0, %eq3A_57 : i32
    %convert_element_type3A_59 = arith.extui %eq3A_58 : i1 to i32
    %cond3A_60 = arith.constant 0 : i32
    %cond3A_61 = arith.cmpi ne, %convert_element_type3A_59, %cond3A_60 : i32
    scf.if %cond3A_61 {
      %sub3A_128 = arith.constant 1 : i32
      %sub3A_129 = arith.subi %arg0, %sub3A_128 : i32
      %sub3A_130 = arith.constant 1 : i32
      %sub3A_131 = arith.subi %sub3A_130, %rem3A_5 : i32
      %mul3A_132 = arith.constant 256 : i32
      %mul3A_133 = arith.muli %sub3A_129, %mul3A_132 : i32
      %dma_wait3A = tpu.memref_slice %arg12[%sub3A_131] : memref<2x!tpu.dma_semaphore, #tpu.memory_space<semaphore_mem>> -> memref<1x!tpu.dma_semaphore, #tpu.memory_space<semaphore_mem>>
      %dma_wait3A_134 = tpu.memref_squeeze %dma_wait3A : memref<1x!tpu.dma_semaphore, #tpu.memory_space<semaphore_mem>> -> memref<!tpu.dma_semaphore, #tpu.memory_space<semaphore_mem>>
      %dma_wait3A_135 = arith.constant 0 : i32
      %dma_wait3A_136 = tpu.memref_slice %arg5[%mul3A_133, %dma_wait3A_135] : memref<4608x8192xf32, #tpu.memory_space<hbm>> -> memref<256x8192xf32, #tpu.memory_space<hbm>>
      %dma_wait3A_137 = arith.constant 0 : i32
      %dma_wait3A_138 = arith.constant 0 : i32
      %dma_wait3A_139 = tpu.memref_slice %arg11[%sub3A_131, %dma_wait3A_137, %dma_wait3A_138] : memref<2x256x8192xf32, #tpu.memory_space<vmem>> -> memref<1x256x8192xf32, #tpu.memory_space<vmem>>
      %dma_wait3A_140 = tpu.memref_squeeze %dma_wait3A_139 : memref<1x256x8192xf32, #tpu.memory_space<vmem>> -> memref<256x8192xf32, #tpu.memory_space<vmem>>
      tpu.wait_dma2 semaphore(%dma_wait3A_134 : memref<!tpu.dma_semaphore, #tpu.memory_space<semaphore_mem>>) src(%dma_wait3A_140 : memref<256x8192xf32, #tpu.memory_space<vmem>>) dst(%dma_wait3A_136 : memref<256x8192xf32, #tpu.memory_space<hbm>>)
      %mul3A_141 = arith.constant 256 : i32
      %mul3A_142 = arith.muli %arg0, %mul3A_141 : i32
      %dma_wait3A_143 = tpu.memref_slice %arg12[%rem3A_5] : memref<2x!tpu.dma_semaphore, #tpu.memory_space<semaphore_mem>> -> memref<1x!tpu.dma_semaphore, #tpu.memory_space<semaphore_mem>>
      %dma_wait3A_144 = tpu.memref_squeeze %dma_wait3A_143 : memref<1x!tpu.dma_semaphore, #tpu.memory_space<semaphore_mem>> -> memref<!tpu.dma_semaphore, #tpu.memory_space<semaphore_mem>>
      %dma_wait3A_145 = arith.constant 0 : i32
      %dma_wait3A_146 = tpu.memref_slice %arg5[%mul3A_142, %dma_wait3A_145] : memref<4608x8192xf32, #tpu.memory_space<hbm>> -> memref<256x8192xf32, #tpu.memory_space<hbm>>
      %dma_wait3A_147 = arith.constant 0 : i32
      %dma_wait3A_148 = arith.constant 0 : i32
      %dma_wait3A_149 = tpu.memref_slice %arg11[%rem3A_5, %dma_wait3A_147, %dma_wait3A_148] : memref<2x256x8192xf32, #tpu.memory_space<vmem>> -> memref<1x256x8192xf32, #tpu.memory_space<vmem>>
      %dma_wait3A_150 = tpu.memref_squeeze %dma_wait3A_149 : memref<1x256x8192xf32, #tpu.memory_space<vmem>> -> memref<256x8192xf32, #tpu.memory_space<vmem>>
      tpu.wait_dma2 semaphore(%dma_wait3A_144 : memref<!tpu.dma_semaphore, #tpu.memory_space<semaphore_mem>>) src(%dma_wait3A_150 : memref<256x8192xf32, #tpu.memory_space<vmem>>) dst(%dma_wait3A_146 : memref<256x8192xf32, #tpu.memory_space<hbm>>)
    } else {
    }
    %swap3A_62 = arith.constant 0 : index
    %swap3A_63 = arith.constant 0 : index
    %swap3A_64 = arith.constant 0 : index
    %swap3A_65 = vector.load %arg6[%swap3A_62, %swap3A_63, %swap3A_64] : memref<1x1x256xi32, #tpu.memory_space<vmem>>, vector<1x1x256xi32>
    %swap3A_66 = vector.shape_cast %swap3A_65 : vector<1x1x256xi32> to vector<256xi32>
    %swap3A_67 = vector.shape_cast %reduce_min3A_32 : vector<256xi32> to vector<1x1x256xi32>
    tpu.vector_store %arg6[%swap3A_62, %swap3A_63, %swap3A_64], %swap3A_67 {strides = array<i32>} : memref<1x1x256xi32, #tpu.memory_space<vmem>>, vector<1x1x256xi32>,
    %sub3A = vector.broadcast %broadcast_in_dim3A : vector<256x1xf32> to vector<256x8192xf32>
    %sub3A_68 = arith.subf %sub3A, %sqrt3A : vector<256x8192xf32>
    %mul3A_69 = arith.constant 144.269501 : f32
    %mul3A_70 = vector.broadcast %mul3A_69 : f32 to vector<256x8192xf32>
    %mul3A_71 = arith.mulf %mul3A_70, %sub3A_68 : vector<256x8192xf32>
    %exp23A = math.exp2 %mul3A_71 : vector<256x8192xf32>
    %reduce_sum3A = arith.constant dense<0.000000e+00> : vector<256xf32>
    %reduce_sum3A_72 = vector.multi_reduction <add>, %exp23A, %reduce_sum3A [1] : vector<256x8192xf32> to vector<256xf32>
    %broadcast_in_dim3A_73 = vector.shape_cast %reduce_sum3A_72 : vector<256xf32> to vector<256x1xf32>
    %mul3A_74 = arith.mulf %exp23A, %mul3A_71 : vector<256x8192xf32>
    %reduce_sum3A_75 = arith.constant dense<0.000000e+00> : vector<256xf32>
    %reduce_sum3A_76 = vector.multi_reduction <add>, %mul3A_74, %reduce_sum3A_75 [1] : vector<256x8192xf32> to vector<256xf32>
    %broadcast_in_dim3A_77 = vector.shape_cast %reduce_sum3A_76 : vector<256xf32> to vector<256x1xf32>
    %log3A = math.log %broadcast_in_dim3A_73 : vector<256x1xf32>
    %div3A = arith.divf %broadcast_in_dim3A_77, %broadcast_in_dim3A_73 : vector<256x1xf32>
    %mul3A_78 = arith.constant 0.693147182 : f32
    %mul3A_79 = vector.broadcast %mul3A_78 : f32 to vector<256x1xf32>
    %mul3A_80 = arith.mulf %mul3A_79, %div3A : vector<256x1xf32>
    %sub3A_81 = arith.subf %log3A, %mul3A_80 : vector<256x1xf32>
    %eq3A_82 = arith.constant 0 : i32
    %eq3A_83 = arith.cmpi eq, %arg0, %eq3A_82 : i32
    %convert_element_type3A_84 = arith.extui %eq3A_83 : i1 to i32
    %cond3A_85 = arith.constant 0 : i32
    %cond3A_86 = arith.cmpi ne, %convert_element_type3A_84, %cond3A_85 : i32
    scf.if %cond3A_86 {
      %broadcast_in_dim3A_128 = arith.constant 0.000000e+00 : f32
      %broadcast_in_dim3A_129 = vector.broadcast %broadcast_in_dim3A_128 : f32 to vector<1x8192xf32>
      %swap3A_130 = arith.constant 0 : index
      %swap3A_131 = arith.constant 0 : index
      %swap3A_132 = vector.load %arg9[%swap3A_130, %swap3A_131] : memref<1x8192xf32, #tpu.memory_space<vmem>>, vector<1x8192xf32>
      tpu.vector_store %arg9[%swap3A_130, %swap3A_131], %broadcast_in_dim3A_129 {strides = array<i32>} : memref<1x8192xf32, #tpu.memory_space<vmem>>, vector<1x8192xf32>,
      %swap3A_133 = arith.constant 0.000000e+00 : f32
      %swap3A_134 = arith.constant 0 : index
      %swap3A_135 = memref.load %arg10[%swap3A_134] : memref<2xf32, #tpu.memory_space<smem>>
      memref.store %swap3A_133, %arg10[%swap3A_134] : memref<2xf32, #tpu.memory_space<smem>>
      %swap3A_136 = arith.constant 0.000000e+00 : f32
      %swap3A_137 = arith.constant 1 : index
      %swap3A_138 = memref.load %arg10[%swap3A_137] : memref<2xf32, #tpu.memory_space<smem>>
      memref.store %swap3A_136, %arg10[%swap3A_137] : memref<2xf32, #tpu.memory_space<smem>>
    } else {
    }
    %get3A_87 = arith.constant 0 : index
    %get3A_88 = arith.constant 0 : index
    %get3A_89 = vector.load %arg9[%get3A_87, %get3A_88] : memref<1x8192xf32, #tpu.memory_space<vmem>>, vector<1x8192xf32>
    %div3A_90 = arith.constant 1.000000e+00 : f32
    %div3A_91 = vector.broadcast %div3A_90 : f32 to vector<256x1xf32>
    %div3A_92 = arith.divf %div3A_91, %broadcast_in_dim3A_73 : vector<256x1xf32>
    %mul3A_93 = vector.broadcast %div3A_92 : vector<256x1xf32> to vector<256x8192xf32>
    %mul3A_94 = arith.mulf %exp23A, %mul3A_93 : vector<256x8192xf32>
    %reduce_sum3A_95 = arith.constant dense<0.000000e+00> : vector<8192xf32>
    %reduce_sum3A_96 = vector.multi_reduction <add>, %mul3A_94, %reduce_sum3A_95 [0] : vector<256x8192xf32> to vector<8192xf32>
    %broadcast_in_dim3A_97 = vector.shape_cast %reduce_sum3A_96 : vector<8192xf32> to vector<1x8192xf32>
    %add3A_98 = arith.addf %get3A_89, %broadcast_in_dim3A_97 : vector<1x8192xf32>
    %swap3A_99 = arith.constant 0 : index
    %swap3A_100 = arith.constant 0 : index
    %swap3A_101 = vector.load %arg9[%swap3A_99, %swap3A_100] : memref<1x8192xf32, #tpu.memory_space<vmem>>, vector<1x8192xf32>
    tpu.vector_store %arg9[%swap3A_99, %swap3A_100], %add3A_98 {strides = array<i32>} : memref<1x8192xf32, #tpu.memory_space<vmem>>, vector<1x8192xf32>,
    %get3A_102 = arith.constant 0 : index
    %get3A_103 = memref.load %arg10[%get3A_102] : memref<2xf32, #tpu.memory_space<smem>>
    %mul3A_104 = arith.mulf %broadcast_in_dim3A, %broadcast_in_dim3A : vector<256x1xf32>
    %reduce_sum3A_105 = vector.shape_cast %mul3A_104 : vector<256x1xf32> to vector<1x256x1xf32>
    %reduce_sum3A_106 = arith.constant dense<0.000000e+00> : vector<1xf32>
    %reduce_sum3A_107 = vector.multi_reduction <add>, %reduce_sum3A_105, %reduce_sum3A_106 [1, 2] : vector<1x256x1xf32> to vector<1xf32>
    %reduce_sum3A_108 = vector.shape_cast %reduce_sum3A_107 : vector<1xf32> to vector<1x1x1xf32>
    %reduce_sum3A_109 = vector.extract %reduce_sum3A_108[0, 0, 0] : f32 from vector<1x1x1xf32>
    %add3A_110 = arith.addf %get3A_103, %reduce_sum3A_109 : f32
    %swap3A_111 = arith.constant 0 : index
    %swap3A_112 = memref.load %arg10[%swap3A_111] : memref<2xf32, #tpu.memory_space<smem>>
    memref.store %add3A_110, %arg10[%swap3A_111] : memref<2xf32, #tpu.memory_space<smem>>
    %get3A_113 = arith.constant 1 : index
    %get3A_114 = memref.load %arg10[%get3A_113] : memref<2xf32, #tpu.memory_space<smem>>
    %reduce_sum3A_115 = vector.shape_cast %sub3A_81 : vector<256x1xf32> to vector<1x256x1xf32>
    %reduce_sum3A_116 = arith.constant dense<0.000000e+00> : vector<1xf32>
    %reduce_sum3A_117 = vector.multi_reduction <add>, %reduce_sum3A_115, %reduce_sum3A_116 [1, 2] : vector<1x256x1xf32> to vector<1xf32>
    %reduce_sum3A_118 = vector.shape_cast %reduce_sum3A_117 : vector<1xf32> to vector<1x1x1xf32>
    %reduce_sum3A_119 = vector.extract %reduce_sum3A_118[0, 0, 0] : f32 from vector<1x1x1xf32>
    %add3A_120 = arith.addf %get3A_114, %reduce_sum3A_119 : f32
    %swap3A_121 = arith.constant 1 : index
    %swap3A_122 = memref.load %arg10[%swap3A_121] : memref<2xf32, #tpu.memory_space<smem>>
    memref.store %add3A_120, %arg10[%swap3A_121] : memref<2xf32, #tpu.memory_space<smem>>
    %eq3A_123 = arith.constant 17 : i32
    %eq3A_124 = arith.cmpi eq, %arg0, %eq3A_123 : i32
    %convert_element_type3A_125 = arith.extui %eq3A_124 : i1 to i32
    %cond3A_126 = arith.constant 0 : i32
    %cond3A_127 = arith.cmpi ne, %convert_element_type3A_125, %cond3A_126 : i32
    scf.if %cond3A_127 {
      %get3A_128 = arith.constant 0 : index
      %get3A_129 = arith.constant 0 : index
      %get3A_130 = vector.load %arg9[%get3A_128, %get3A_129] : memref<1x8192xf32, #tpu.memory_space<vmem>>, vector<1x8192xf32>
      %mul3A_131 = arith.constant 2.17013891E-4 : f32
      %mul3A_132 = vector.broadcast %mul3A_131 : f32 to vector<1x8192xf32>
      %mul3A_133 = arith.mulf %get3A_130, %mul3A_132 : vector<1x8192xf32>
      %add3A_134 = arith.constant 9.99999993E-9 : f32
      %add3A_135 = vector.broadcast %add3A_134 : f32 to vector<1x8192xf32>
      %add3A_136 = arith.addf %mul3A_133, %add3A_135 : vector<1x8192xf32>
      %log3A_137 = math.log %add3A_136 : vector<1x8192xf32>
      %mul3A_138 = arith.mulf %mul3A_133, %log3A_137 : vector<1x8192xf32>
      %reduce_sum3A_139 = vector.shape_cast %mul3A_138 : vector<1x8192xf32> to vector<1x1x8192xf32>
      %reduce_sum3A_140 = arith.constant dense<0.000000e+00> : vector<1xf32>
      %reduce_sum3A_141 = vector.multi_reduction <add>, %reduce_sum3A_139, %reduce_sum3A_140 [1, 2] : vector<1x1x8192xf32> to vector<1xf32>
      %reduce_sum3A_142 = vector.shape_cast %reduce_sum3A_141 : vector<1xf32> to vector<1x1x1xf32>
      %reduce_sum3A_143 = vector.extract %reduce_sum3A_142[0, 0, 0] : f32 from vector<1x1x1xf32>
      %neg3A = arith.constant 0.000000e+00 : f32
      %neg3A_144 = arith.subf %neg3A, %reduce_sum3A_143 : f32
      %get3A_145 = arith.constant 1 : index
      %get3A_146 = memref.load %arg10[%get3A_145] : memref<2xf32, #tpu.memory_space<smem>>
      %div3A_147 = arith.constant 4.608000e+03 : f32
      %div3A_148 = arith.divf %get3A_146, %div3A_147 : f32
      %get3A_149 = arith.constant 0 : index
      %get3A_150 = memref.load %arg10[%get3A_149] : memref<2xf32, #tpu.memory_space<smem>>
      %mul3A_151 = arith.constant 5.000000e-01 : f32
      %mul3A_152 = arith.mulf %mul3A_151, %get3A_150 : f32
      %div3A_153 = arith.constant 0x49900000 : f32
      %div3A_154 = arith.divf %mul3A_152, %div3A_153 : f32
      %mul3A_155 = arith.constant 2.500000e-01 : f32
      %mul3A_156 = arith.mulf %div3A_154, %mul3A_155 : f32
      %sub3A_157 = arith.subf %div3A_148, %neg3A_144 : f32
      %mul3A_158 = arith.constant 1.000000e-01 : f32
      %mul3A_159 = arith.mulf %sub3A_157, %mul3A_158 : f32
      %add3A_160 = arith.addf %div3A_154, %mul3A_156 : f32
      %add3A_161 = arith.addf %add3A_160, %mul3A_159 : f32
      %swap3A_162 = arith.constant 0 : index
      %swap3A_163 = memref.load %arg7[%swap3A_162] : memref<4xf32, #tpu.memory_space<smem>>
      memref.store %add3A_161, %arg7[%swap3A_162] : memref<4xf32, #tpu.memory_space<smem>>
      %swap3A_164 = arith.constant 1 : index
      %swap3A_165 = memref.load %arg7[%swap3A_164] : memref<4xf32, #tpu.memory_space<smem>>
      memref.store %mul3A_156, %arg7[%swap3A_164] : memref<4xf32, #tpu.memory_space<smem>>
      %swap3A_166 = arith.constant 2 : index
      %swap3A_167 = memref.load %arg7[%swap3A_166] : memref<4xf32, #tpu.memory_space<smem>>
      memref.store %div3A_154, %arg7[%swap3A_166] : memref<4xf32, #tpu.memory_space<smem>>
      %swap3A_168 = arith.constant 3 : index
      %swap3A_169 = memref.load %arg7[%swap3A_168] : memref<4xf32, #tpu.memory_space<smem>>
      memref.store %mul3A_159, %arg7[%swap3A_168] : memref<4xf32, #tpu.memory_space<smem>>
    } else {
    }
    return
  }
  func.func @transform_0(%arg0: i32) -> (i32, i32) {
    %c0_i32 = arith.constant 0 : i32
    %c0_i32_0 = arith.constant 0 : i32
    return %arg0, %c0_i32 : i32, i32
  }
  func.func @transform_1(%arg0: i32) -> (i32, i32) {
    %c0_i32 = arith.constant 0 : i32
    %c0_i32_0 = arith.constant 0 : i32
    %c0_i32_1 = arith.constant 0 : i32
    return %c0_i32, %c0_i32_0 : i32, i32
  }
  func.func @transform_2(%arg0: i32) -> (i32, i32) {
    %c0_i32 = arith.constant 0 : i32
    %c0_i32_0 = arith.constant 0 : i32
    return %arg0, %c0_i32 : i32, i32
  }
  func.func @transform_3(%arg0: i32) -> (i32, i32) {
    %c0_i32 = arith.constant 0 : i32
    %c0_i32_0 = arith.constant 0 : i32
    %c0_i32_1 = arith.constant 0 : i32
    return %c0_i32, %c0_i32_0 : i32, i32
  }
  func.func @transform_5(%arg0: i32) -> (i32, i32, i32) {
    %c0_i32 = arith.constant 0 : i32
    %c0_i32_0 = arith.constant 0 : i32
    %c0_i32_1 = arith.constant 0 : i32
    return %arg0, %c0_i32, %c0_i32_0 : i32, i32, i32
  }
  func.func @transform_6(%arg0: i32) -> i32 {
    %c0_i32 = arith.constant 0 : i32
    %c0_i32_0 = arith.constant 0 : i32
    return %c0_i32 : i32
  }
}

</mosaic_0001>

<sc_bundles>
// kernel: kernel.4.cloned.1.call-start
scs
__scs_entry_jumppad:
0x0: {  	(pc) =	sbr.rel $0x88, $3  }
0x1: {  	(tag) =	ssettag $0x0;
	lr =	simm.s32 $0x1  }
0x2: {  	[smem:$0x3F9F] =	sst lr;
	_ =	strace $0xD0000000  }
0x3: {  	_ = 	snop  }
0x4: {  	_ = 	snop  }
0x5: {  	_ = 	snop  }
0x6: {  	_ = 	snop  }
0x7: {  	_ = 	snop  }
__scs_overlays_trampoline_lowered:
0x8: {  	[smem:$0x3FAE] =	sst s0  }
0x9: {  	[smem:$0x3FAF] =	sst s1  }
0xa: {  	[smem:$0x3FB0] =	sst s2  }
0xb: {  	[smem:$0x3FB1] =	sst s3  }
0xc: {  	[smem:$0x3FB2] =	sst s4  }
0xd: {  	[smem:$0x3FB3] =	sst s5  }
0xe: {  	[smem:$0x3FB4] =	sst s6  }
0xf: {  	[smem:$0x3FB5] =	sst s7  }
0x10: {  	[smem:$0x3FB6] =	sst s8  }
0x11: {  	[smem:$0x3FB7] =	sst s9;
	s0 =	simm.s32 @!p0 $0x0  }
0x12: {  	s1 =	sld [smem:$0x3F9D];
	s0 =	simm.s32 @p0 $0x1  }
0x13: {  	[smem:$0x3FB8] =	sst s0;
	s0 =	simm.s32 @!p1 $0x0  }
0x14: {  	s2 =	sld [smem:$0x3F9C];
	s0 =	simm.s32 @p1 $0x1  }
0x15: {  	[smem:$0x3FB9] =	sst s0;
	s0 =	simm.s32 @!p2 $0x0  }
0x16: {  	s3 =	sld [smem:$0x3FDB];
	s0 =	simm.s32 @p2 $0x1  }
0x17: {  	s4 =	simm.s32 $0x1BF5;
	[smem:$0x3FBB] =	sst s0  }
0x18: {  	s0 =	sld [smem:$0x3F9E];
	_ =	swait.ge [sflag:s4], $0x0  }
0x19: {  	s7 =	sld [smem:$0x3F9F]  }
0x1a: {  	s8 =	sadd.s32 $0xFFFFE003, lr  }
0x1b: {  	s9 =	sadd.s32 $0xFFFFFEF7, lr;
	s5 =	simm.s32 $0xFFFFFFFF;
	p2 =	slt.u32 s8, $0xFFFFF086  }
0x1c: {  	p1 =	slt.u32 s9, $0xF7A;
	s5 =	simm.s32 @!p2 $0x0  }
0x1d: {  	s5 =	simm.s32 @p1 $0x1;
	p0 =	seq.s32 s7, s2  }
0x1e: {  	s7 =	smul.u32 @!p0 $0xF7A, s2;
	p2 =	seq.s32 @!p0 s5, $0x0  }
0x1f: {  	s9 =	smul.u32 $0xF7A, s1;
	s8 =	simm.s32 @!p0 $0x1BF5;
	p2 =	por !p2, p0  }
0x20: {  	[sflag:s8] =	ssyncset.s32 @!p0 $0xFFFFF086;
	s6 =	sadd.s32 @!p0 s3, s7;
	s7 =	simm.s32 @!p0 $0x108  }
0x21: {  	s3 =	sadd.s32 s3, s9;
	s6 =	sadd.s32 @!p0 $0x88, s6;
	s7 =	simm.s32 @p2 $0x1082  }
0x22: {  	[simem:s7], [sflag:s8] =	dma.local @!p0 [hbm:s6], $0xF7A  }
0x23: {  	s9 =	sor.u32 $0xD0000000, s2;
	s6 =	simm.s32 $0x108;
	_ =	swait.ge @!p0 [sflag:s8], $0x0  }
0x24: {  	s3 =	sadd.s32 $0x88, s3;
	s6 =	simm.s32 @!p1 $0x1082;
	[sflag:s4] =	ssyncset.s32 $0xFFFFF086  }
0x25: {  	[simem:s6], [sflag:s4] =	dma.local [hbm:s3], $0xF7A  }
0x26: {  	[smem:$0x3F9F] =	sst s1;
	(tag) =	ssettag s2;
	_ =	strace s9  }
0x27: {  	s1 =	sld [smem:$0x3FAF]  }
0x28: {  	s2 =	sld [smem:$0x3FB0]  }
0x29: {  	s4 =	sld [smem:$0x3FB2]  }
0x2a: {  	p0 =	seq.s32 s5, $0x0;
	s5 =	sld [smem:$0x3FB3]  }
0x2b: {  	s6 =	sld [smem:$0x3FB4]  }
0x2c: {  	s7 =	sld [smem:$0x3FB5]  }
0x2d: {  	s3 =	simm.s32 $0x108;
	s8 =	sld [smem:$0x3FB6]  }
0x2e: {  	s3 =	simm.s32 @!p0 $0x1082;
	s9 =	sld [smem:$0x3FB7]  }
0x2f: {  	lr =	sadd.s32 s0, s3;
	s0 =	sld [smem:$0x3FAE]  }
0x30: {  	s3 =	sld [smem:$0x3FB1]  }
0x31: {  	[smem:$0x3FBA] =	sst s10  }
0x32: {  	s10 =	sld [smem:$0x3FB8];
	_ =	sdelay $0x3  }
0x33: {  	p0 =	seq.s32 s10, $0x1;
	s10 =	sld [smem:$0x3FBA];
	_ =	sdelay $0x3  }
0x34: {  	[smem:$0x3FBA] =	sst s10  }
0x35: {  	s10 =	sld [smem:$0x3FB9];
	_ =	sdelay $0x3  }
0x36: {  	p1 =	seq.s32 s10, $0x1;
	s10 =	sld [smem:$0x3FBA];
	_ =	sdelay $0x3  }
0x37: {  	[smem:$0x3FBA] =	sst s10  }
0x38: {  	s10 =	sld [smem:$0x3FBB]  }
0x39: {  	_ = 	snop;
	(pc) =	sbr.ind lr, $3  }
0x3a: {  	_ = 	snop  }
0x3b: {  	_ = 	snop  }
0x3c: {  	p2 =	seq.s32 s10, $0x1;
	s10 =	sld [smem:$0x3FBA]  }
0x3d: {  	_ =	shalt  }
0x3e: {  	_ =	shalt  }
0x3f: {  	_ =	shalt  }
0x40: {  	_ =	shalt  }
0x41: {  	_ =	shalt  }
0x42: {  	_ =	shalt  }
0x43: {  	_ =	shalt  }
0x44: {  	_ =	shalt  }
0x45: {  	_ =	shalt  }
0x46: {  	_ =	shalt  }
0x47: {  	_ =	shalt  }
0x48: {  	_ =	shalt  }
0x49: {  	_ =	shalt  }
0x4a: {  	_ =	shalt  }
0x4b: {  	_ =	shalt  }
0x4c: {  	_ =	shalt  }
0x4d: {  	_ =	shalt  }
0x4e: {  	_ =	shalt  }
0x4f: {  	_ =	shalt  }
0x50: {  	_ =	shalt  }
0x51: {  	_ =	shalt  }
0x52: {  	_ =	shalt  }
0x53: {  	_ =	shalt  }
0x54: {  	_ =	shalt  }
0x55: {  	_ =	shalt  }
0x56: {  	_ =	shalt  }
0x57: {  	_ =	shalt  }
0x58: {  	_ =	shalt  }
0x59: {  	_ =	shalt  }
0x5a: {  	_ =	shalt  }
0x5b: {  	_ =	shalt  }
0x5c: {  	_ =	shalt  }
0x5d: {  	_ =	shalt  }
0x5e: {  	_ =	shalt  }
0x5f: {  	_ =	shalt  }
0x60: {  	_ =	shalt  }
0x61: {  	_ =	shalt  }
0x62: {  	_ =	shalt  }
0x63: {  	_ =	shalt  }
0x64: {  	_ =	shalt  }
0x65: {  	_ =	shalt  }
0x66: {  	_ =	shalt  }
0x67: {  	_ =	shalt  }
0x68: {  	_ =	shalt  }
0x69: {  	_ =	shalt  }
0x6a: {  	_ =	shalt  }
0x6b: {  	_ =	shalt  }
0x6c: {  	_ =	shalt  }
0x6d: {  	_ =	shalt  }
0x6e: {  	_ =	shalt  }
0x6f: {  	_ =	shalt  }
0x70: {  	_ =	shalt  }
0x71: {  	_ =	shalt  }
0x72: {  	_ =	shalt  }
0x73: {  	_ =	shalt  }
0x74: {  	_ =	shalt  }
0x75: {  	_ =	shalt  }
0x76: {  	_ =	shalt  }
0x77: {  	_ =	shalt  }
0x78: {  	_ =	shalt  }
0x79: {  	_ =	shalt  }
0x7a: {  	_ =	shalt  }
0x7b: {  	_ =	shalt  }
0x7c: {  	_ =	shalt  }
0x7d: {  	_ =	shalt  }
0x7e: {  	_ =	shalt  }
0x7f: {  	_ =	shalt  }
0x80: {  	_ =	shalt  }
0x81: {  	_ =	shalt  }
0x82: {  	_ =	shalt  }
0x83: {  	_ =	shalt  }
0x84: {  	_ =	shalt  }
0x85: {  	_ =	shalt  }
0x86: {  	_ =	shalt  }
0x87: {  	_ =	shalt  }
.Lfunc_end0:
.L_simem_size_0:
called_computation_lowered:
.L_overlay_start_0:
0x88: {  	s2 =	sld [smem:$0x3FD9]  }
0x89: {  	s3 =	sld [smem:$0x3FFE];
	_ =	sdelay $0x1  }
0x8a: {  	s1 =	srdreg.scid  }
0x8b: {  	s0 =	sand.u32 $0x1, s1  }
0x8c: {  	s14 =	sshll.u32 s0, $0xA;
	s2 =	sadd.s32 s3, s2  }
0x8d: {  	s2 =	sadd.s32 s2, s14  }
0x8e: {  	[smem:$0x3FC6] =	sst s2  }
0x8f: {  	_ = 	snop  }
0x90: {  	s2 =	sld [smem:$0x3FD0];
	_ =	sdelay $0x2  }
0x91: {  	s4 =	simm.s32 $0xA;
	s5 =	simm.s32 $0x10;
	s15 =	sld [smem:$0x3FC8]  }
0x92: {  	[smem:s5], [sflag:s4] =	dma.local [hbm:s2], $0x1  }
0x93: {  	_ =	swait.eq [sflag:s4], $0x1  }
0x94: {  	[sflag:s4] =	ssyncset.done $0x0  }
0x95: {  	[sflag:s4] =	ssyncadd.s32 $0xFFFFFFFF  }
0x96: {  	s16 =	sld [smem:$0x10];
	(tm) =	ssettm $0x1  }
0x97: {  	s17 =	sld [smem:$0x3FFB];
	_ =	sdelay $0x3  }
0x98: {  	_ =	strace s17  }
0x99: {  	s4 =	sld [smem:$0x3FFC];
	_ =	sdelay $0x3  }
0x9a: {  	_ =	strace s4  }
0x9b: {  	s4 =	sld [smem:$0x3FFD];
	_ =	sdelay $0x3  }
0x9c: {  	_ =	strace s4  }
0x9d: {  	_ =	strace $0x8FFFFFFF  }
0x9e: {  	s18 =	sld [smem:$0x3FDB];
	_ =	sdelay $0x1  }
0x9f: {  	s19 =	simm.s32 $_scs_section_size  }
0xa0: {  	s6 =	simm.s32 $_size__tile_overlayer_lowered;
	s7 =	simm.s32 $_tile_overlayer_lowered  }
0xa1: {  	s22 =	simm.s32 $0x1BFF;
	s21 =	sshll.u32 s7, $0x1;
	s4 =	sadd.s32 s19, s18  }
0xa2: {  	s8 =	simm.s32 $0x0;
	s20 =	sshll.u32 s6, $0x1;
	s6 =	sadd.s32 s21, s4  }
0xa3: {  	[timem:s8], [sflag:s22] =	dma.local [hbm:s6], s20  }
0xa4: {  	_ =	swait.ge [sflag:s22], s20  }
0xa5: {  	s5 =	ssub.s32 $0x0, s20;
	[sflag:s22] =	ssyncset.done $0x0  }
0xa6: {  	[sflag:s22] =	ssyncadd.s32 s5;
	_ =	sdelay $0x1  }
0xa7: {  	s23 =	simm.s32 $0x1B8B  }
0xa8: {  	_ =	swait.ge [sflag:s23], $0x1  }
0xa9: {  	[sflag:s23] =	ssyncset.done $0x0  }
0xaa: {  	s25 =	simm.s32 $0x1B8E;
	s24 =	sld [smem:$0x3FFE];
	[sflag:s23] =	ssyncadd.s32 $0xFFFFFFFF  }
0xab: {  	s26 =	simm.s32 $execute0_lowered;
	[smem:$0x3FD2] =	sst s25  }
0xac: {  	s6 =	sshll.u32 s26, $0x1;
	_ =	strace $0x80000046;
	[dreg:$0x1] =	wrdreg $0xFFFFFFFF  }
0xad: {  	s28 =	simm.s32 $_size_execute0_lowered;
	s4 =	sadd.s32 s4, s6;
	[dreg:$0x0] =	wrdreg $0x0  }
0xae: {  	s6 =	sshll.u32 s28, $0x1;
	[dreg:$0x2] =	wrdreg s4  }
0xaf: {  	[dreg:$0x3] =	wrdreg s6  }
0xb0: {  	[dreg:$0x4] =	wrdreg $0xC0  }
0xb1: {  	_ =	task [dreg:s8], $0x5FFFF  }
0xb2: {  	[dreg:$0x1] =	wrdreg $0xFFFFFFFF  }
0xb3: {  	[dreg:$0x0] =	wrdreg $0x60  }
0xb4: {  	[dreg:$0x2] =	wrdreg s15  }
0xb5: {  	[dreg:$0x3] =	wrdreg s24  }
0xb6: {  	[dreg:$0x4] =	wrdreg s16  }
0xb7: {  	[dreg:$0x5] =	wrdreg $0x9  }
0xb8: {  	_ =	task.clear_ibuf [dreg:s8], $0x6FFFF;
	_ =	strace $0x90000046  }
0xb9: {  	s29 =	simm.s32 $0x9;
	_ =	strace $0x80000048  }
0xba: {  	_ =	swait.ge [sflag:s29], $0x1  }
0xbb: {  	[sflag:s29] =	ssyncadd.s32 $0xFFFFFFFF  }
0xbc: {  	_ =	strace $0x90000048  }
0xbd: {  	_ =	sfence  }
0xbe: {  	s30 =	sld [smem:$0x0];
	_ =	sdelay $0x2  }
0xbf: {  	s31 =	sshll.u32 s1, $0xD;
	s1 =	sshrl.u32 s1, $0x2  }
0xc0: {  	s3 =	sand.u32 $0x4000, s31;
	s1 =	sadd.s32 s1, s30  }
0xc1: {  	s0 =	sor.u32 s3, s0;
	s1 =	sshll.u32 s1, $0x11  }
0xc2: {  	s0 =	sor.u32 s1, s0  }
0xc3: {  	s0 =	sadd.s32 $0x8F2B, s0  }
0xc4: {  	[sflag:s0] =	ssyncadd.remote.s32 $0x1  }
0xc5: {  	_ =	sfence.sel $0xFFFF  }
0xc6: {  	[dreg:$0x0] =	wrdreg $0xFFFFFFFF;
	(pc) =	sbr.abs _section_cstart, $3  }
0xc7: {  	[dreg:$0x1] =	wrdreg $0xFFFFFFFF  }
0xc8: {  	_ =	task.clear_ibuf [dreg:s8], $0x2FFFF;
	_ =	strace $0x9FFFFFFF  }
0xc9: {  	(tm) =	ssettm $0x7FFFFFFF  }
tec
execute0_lowered:
.L_overlay_start_1:
0x0: {  	(tag) =	ssettag $0x1  }
0x1: {  	s1 =	rddreg [dreg:$0x0]  }
0x2: {  	s4 =	rddreg [dreg:$0x1]  }
0x3: {  	s2 =	srdreg.scid;
	s0 =	stileid.u32  }
0x4: {  	s6 =	rddreg [dreg:$0x2];
	s3 =	simm.s32 $0x0;
	s12 =	simm.s32 $0x1100  }
0x5: {  	s13 =	simm.s32 $0x1900;
	s14 =	simm.s32 $0x2100;
	s15 =	simm.s32 $0x2900  }
0x6: {  	s16 =	simm.s32 $0x3100;
	s17 =	simm.s32 $0x3900;
	s18 =	simm.s32 $0x4100  }
0x7: {  	s19 =	simm.s32 $0x4900;
	s20 =	simm.s32 $0x5100;
	s21 =	simm.s32 $0x5900  }
0x8: {  	s22 =	simm.s32 $0x6100;
	s23 =	simm.s32 $0x6900;
	s24 =	simm.s32 $0x7100  }
0x9: {  	s25 =	simm.s32 $0x7900;
	s26 =	simm.s32 $0x8100;
	s28 =	simm.s32 $0x8900  }
0xa: {  	s5 =	sand.u32 $0x1, s2;
	s7 =	sshll.u32 s0, $0x1;
	s2 =	rddreg [dreg:$0x3]  }
0xb: {  	s29 =	simm.s32 $0x1;
	[smem:$0x7FF] =	sst s3;
	s7 =	sor.u32 s5, s7  }
0xc: {  	s9 =	sadd.s32 $0x200, s4;
	s5 =	ssub.s32 $0x2, s5;
	s8 =	smul.u32 $0x90, s7  }
0xd: {  	_ =	strace $0x80000047;
	s30 =	sshrl.u32 s5, $0x1;
	s7 =	smul.u32 $0x1200, s7  }
0xe: {  	s11 =	ssub.s32 s5, s30;
	s10 =	sshrl.u32 s8, $0x3;
	s8 =	sadd.s32 $0x48, s8  }
0xf: {  	v2 =	vlaneseq.u32;
	s6 =	sadd.s32 s6, s7;
	s7 =	smax.u32 s11, $0x1;
	s11 =	simm.s32 $0x900  }
0x10: {  	vm0 =	vmmov $0xffff;
	v1 =	vshrl.u32 v2, $0x3;
	s4 =	sadd.s32 s9, s10;
	s31 =	sshrl.u32 s8, $0x3;
	s8 =	simm.s32 $0x2  }
0x11: {  	v0 =	vand.u32 $0x7, v2;
	v2 =	vor.u32 $0x8, v2;
	v1 =	vmul.u32 $0x8, v1;
	s10 =	simm.s32 $0x100;
	s5 =	sadd.s32 s9, s31;
	s9 =	simm.s32 $0x80  }
.LBB2_1:
0x12: {  	[tilespmem:s3], [sflag:$0x2] =	stream.linear.gather [hbm4b:s4+s3], $0x48, $0x38;
	[tilespmem:$0x9100] =	vst v63  }
0x13: {  	_ =	swait.ge [sflag:s8], $0x48  }
0x14: {  	[sflag:s8] =	ssyncset.done $0x0  }
0x15: {  	[sflag:s8] =	ssyncadd.s32 $0xFFFFFFB8  }
0x16: {  	[tilespmem:s9], [sflag:$0x2] =	stream.linear.gather [hbm4b:s5+s3], $0x48, $0x38;
	[tilespmem:$0x9100] =	vst v63  }
0x17: {  	_ =	swait.ge [sflag:s8], $0x48  }
0x18: {  	[sflag:s8] =	ssyncset.done $0x0  }
0x19: {  	[sflag:s8] =	ssyncadd.s32 $0xFFFFFFB8  }
0x1a: {  	v3 =	vld [tilespmem:$0x0];
	_ =	sdelay $0x4  }
0x1b: {  	v4 =	vshll.u32 v3, $0x1  }
0x1c: {  	v3 =	vand.u32 $0x7, v3;
	v4 =	vand.u32 $0xFFFFFFF0, v4  }
0x1d: {  	v3 =	vor.u32 v3, v4  }
0x1e: {  	v4 =	vperm.xlane v3, v0;
	_ =	sdelay $0x1  }
0x1f: {  	v3 =	vperm.xlane v3, v2;
	v4 =	vadd.s32 v1, v4;
	_ =	sdelay $0x1  }
0x20: {  	v3 =	vadd.s32 v1, v3;
	_ =	sdelay $0x2  }
0x21: {  	[tilespmem:s10], [sflag:$0x1] =	stream.indirect_vreg.gather [hbm4b:s1+s3], $0x80, v4, vm0, $0xb8;
	[tilespmem:$0x9100] =	vst v63  }
0x22: {  	_ = 	snop  }
0x23: {  	[tilespmem:s11], [sflag:$0x1] =	stream.indirect_vreg.gather [hbm4b:s1+s3], $0x80, v3, vm0, $0xb8;
	[tilespmem:$0x9100] =	vst v63  }
0x24: {  	v3 =	vld [tilespmem:$0x10];
	_ =	sdelay $0x4  }
0x25: {  	v55 =	vshll.u32 v3, $0x1  }
0x26: {  	v3 =	vand.u32 $0x7, v3;
	v4 =	vand.u32 $0xFFFFFFF0, v55  }
0x27: {  	v3 =	vor.u32 v3, v4  }
0x28: {  	v4 =	vperm.xlane v3, v0;
	_ =	sdelay $0x1  }
0x29: {  	v3 =	vperm.xlane v3, v2;
	v4 =	vadd.s32 v1, v4;
	_ =	sdelay $0x1  }
0x2a: {  	v3 =	vadd.s32 v1, v3;
	_ =	sdelay $0x2  }
0x2b: {  	[tilespmem:s12], [sflag:$0x1] =	stream.indirect_vreg.gather [hbm4b:s1+s3], $0x80, v4, vm0, $0xb8;
	[tilespmem:$0x9100] =	vst v63  }
0x2c: {  	_ = 	snop  }
0x2d: {  	[tilespmem:s13], [sflag:$0x1] =	stream.indirect_vreg.gather [hbm4b:s1+s3], $0x80, v3, vm0, $0xb8;
	[tilespmem:$0x9100] =	vst v63  }
0x2e: {  	v3 =	vld [tilespmem:$0x20];
	_ =	sdelay $0x4  }
0x2f: {  	v56 =	vshll.u32 v3, $0x1  }
0x30: {  	v3 =	vand.u32 $0x7, v3;
	v4 =	vand.u32 $0xFFFFFFF0, v56  }
0x31: {  	v3 =	vor.u32 v3, v4  }
0x32: {  	v4 =	vperm.xlane v3, v0;
	_ =	sdelay $0x1  }
0x33: {  	v3 =	vperm.xlane v3, v2;
	v4 =	vadd.s32 v1, v4;
	_ =	sdelay $0x1  }
0x34: {  	v3 =	vadd.s32 v1, v3;
	_ =	sdelay $0x2  }
0x35: {  	[tilespmem:s14], [sflag:$0x1] =	stream.indirect_vreg.gather [hbm4b:s1+s3], $0x80, v4, vm0, $0xb8;
	[tilespmem:$0x9100] =	vst v63  }
0x36: {  	_ = 	snop  }
0x37: {  	[tilespmem:s15], [sflag:$0x1] =	stream.indirect_vreg.gather [hbm4b:s1+s3], $0x80, v3, vm0, $0xb8;
	[tilespmem:$0x9100] =	vst v63  }
0x38: {  	v3 =	vld [tilespmem:$0x30];
	_ =	sdelay $0x4  }
0x39: {  	v57 =	vshll.u32 v3, $0x1  }
0x3a: {  	v3 =	vand.u32 $0x7, v3;
	v4 =	vand.u32 $0xFFFFFFF0, v57  }
0x3b: {  	v3 =	vor.u32 v3, v4  }
0x3c: {  	v4 =	vperm.xlane v3, v0;
	_ =	sdelay $0x1  }
0x3d: {  	v3 =	vperm.xlane v3, v2;
	v4 =	vadd.s32 v1, v4;
	_ =	sdelay $0x1  }
0x3e: {  	v3 =	vadd.s32 v1, v3;
	_ =	sdelay $0x2  }
0x3f: {  	[tilespmem:s16], [sflag:$0x1] =	stream.indirect_vreg.gather [hbm4b:s1+s3], $0x80, v4, vm0, $0xb8;
	[tilespmem:$0x9100] =	vst v63  }
0x40: {  	_ = 	snop  }
0x41: {  	[tilespmem:s17], [sflag:$0x1] =	stream.indirect_vreg.gather [hbm4b:s1+s3], $0x80, v3, vm0, $0xb8;
	[tilespmem:$0x9100] =	vst v63  }
0x42: {  	v3 =	vld.msk [tilespmem:$0x40], $0xff;
	_ =	sdelay $0x4  }
0x43: {  	v58 =	vshll.u32 v3, $0x1  }
0x44: {  	v3 =	vand.u32 $0x7, v3;
	v4 =	vand.u32 $0xFFFFFFF0, v58  }
0x45: {  	v3 =	vor.u32 v3, v4  }
0x46: {  	v3 =	vperm.xlane v3, v0;
	_ =	sdelay $0x1  }
0x47: {  	v3 =	vadd.s32 v1, v3;
	_ =	sdelay $0x4  }
0x48: {  	[tilespmem:s18], [sflag:$0x1] =	stream.indirect_vreg.gather [hbm4b:s1+s3], $0x80, v3, vm0, $0xb8;
	[tilespmem:$0x9100] =	vst v63  }
0x49: {  	v3 =	vld [tilespmem:$0x80];
	_ =	sdelay $0x4  }
0x4a: {  	v59 =	vshll.u32 v3, $0x1  }
0x4b: {  	v3 =	vand.u32 $0x7, v3;
	v4 =	vand.u32 $0xFFFFFFF0, v59  }
0x4c: {  	v3 =	vor.u32 v3, v4  }
0x4d: {  	v4 =	vperm.xlane v3, v0;
	_ =	sdelay $0x1  }
0x4e: {  	v3 =	vperm.xlane v3, v2;
	v4 =	vadd.s32 v1, v4;
	_ =	sdelay $0x1  }
0x4f: {  	v3 =	vadd.s32 v1, v3;
	_ =	sdelay $0x2  }
0x50: {  	[tilespmem:s19], [sflag:$0x1] =	stream.indirect_vreg.gather [hbm4b:s1+s3], $0x80, v4, vm0, $0xb8;
	[tilespmem:$0x9100] =	vst v63  }
0x51: {  	_ = 	snop  }
0x52: {  	[tilespmem:s20], [sflag:$0x1] =	stream.indirect_vreg.gather [hbm4b:s1+s3], $0x80, v3, vm0, $0xb8;
	[tilespmem:$0x9100] =	vst v63  }
0x53: {  	v3 =	vld [tilespmem:$0x90];
	_ =	sdelay $0x4  }
0x54: {  	v60 =	vshll.u32 v3, $0x1  }
0x55: {  	v3 =	vand.u32 $0x7, v3;
	v4 =	vand.u32 $0xFFFFFFF0, v60  }
0x56: {  	v3 =	vor.u32 v3, v4  }
0x57: {  	v4 =	vperm.xlane v3, v0;
	_ =	sdelay $0x1  }
0x58: {  	v3 =	vperm.xlane v3, v2;
	v4 =	vadd.s32 v1, v4;
	_ =	sdelay $0x1  }
0x59: {  	v3 =	vadd.s32 v1, v3;
	_ =	sdelay $0x2  }
0x5a: {  	[tilespmem:s21], [sflag:$0x1] =	stream.indirect_vreg.gather [hbm4b:s1+s3], $0x80, v4, vm0, $0xb8;
	[tilespmem:$0x9100] =	vst v63  }
0x5b: {  	_ = 	snop  }
0x5c: {  	[tilespmem:s22], [sflag:$0x1] =	stream.indirect_vreg.gather [hbm4b:s1+s3], $0x80, v3, vm0, $0xb8;
	[tilespmem:$0x9100] =	vst v63  }
0x5d: {  	v3 =	vld [tilespmem:$0xA0];
	_ =	sdelay $0x4  }
0x5e: {  	v61 =	vshll.u32 v3, $0x1  }
0x5f: {  	v3 =	vand.u32 $0x7, v3;
	v4 =	vand.u32 $0xFFFFFFF0, v61  }
0x60: {  	v3 =	vor.u32 v3, v4  }
0x61: {  	v4 =	vperm.xlane v3, v0;
	_ =	sdelay $0x1  }
0x62: {  	v3 =	vperm.xlane v3, v2;
	v4 =	vadd.s32 v1, v4;
	_ =	sdelay $0x1  }
0x63: {  	v3 =	vadd.s32 v1, v3;
	_ =	sdelay $0x2  }
0x64: {  	[tilespmem:s23], [sflag:$0x1] =	stream.indirect_vreg.gather [hbm4b:s1+s3], $0x80, v4, vm0, $0xb8;
	[tilespmem:$0x9100] =	vst v63  }
0x65: {  	_ = 	snop  }
0x66: {  	[tilespmem:s24], [sflag:$0x1] =	stream.indirect_vreg.gather [hbm4b:s1+s3], $0x80, v3, vm0, $0xb8;
	[tilespmem:$0x9100] =	vst v63  }
0x67: {  	v3 =	vld [tilespmem:$0xB0];
	_ =	sdelay $0x4  }
0x68: {  	v62 =	vshll.u32 v3, $0x1  }
0x69: {  	v3 =	vand.u32 $0x7, v3;
	v4 =	vand.u32 $0xFFFFFFF0, v62  }
0x6a: {  	v3 =	vor.u32 v3, v4  }
0x6b: {  	v4 =	vperm.xlane v3, v0;
	_ =	sdelay $0x1  }
0x6c: {  	v3 =	vperm.xlane v3, v2;
	v4 =	vadd.s32 v1, v4;
	_ =	sdelay $0x1  }
0x6d: {  	v3 =	vadd.s32 v1, v3;
	_ =	sdelay $0x2  }
0x6e: {  	[tilespmem:s25], [sflag:$0x1] =	stream.indirect_vreg.gather [hbm4b:s1+s3], $0x80, v4, vm0, $0xb8;
	[tilespmem:$0x9100] =	vst v63  }
0x6f: {  	_ = 	snop  }
0x70: {  	[tilespmem:s26], [sflag:$0x1] =	stream.indirect_vreg.gather [hbm4b:s1+s3], $0x80, v3, vm0, $0xb8;
	[tilespmem:$0x9100] =	vst v63  }
0x71: {  	v3 =	vld.msk [tilespmem:$0xC0], $0xff;
	_ =	sdelay $0x4  }
0x72: {  	v63 =	vshll.u32 v3, $0x1  }
0x73: {  	v3 =	vand.u32 $0x7, v3;
	v4 =	vand.u32 $0xFFFFFFF0, v63  }
0x74: {  	v3 =	vor.u32 v3, v4  }
0x75: {  	v3 =	vperm.xlane v3, v0;
	_ =	sdelay $0x1  }
0x76: {  	v3 =	vadd.s32 v1, v3;
	_ =	sdelay $0x4  }
0x77: {  	[tilespmem:s28], [sflag:$0x1] =	stream.indirect_vreg.gather [hbm4b:s1+s3], $0x80, v3, vm0, $0xb8;
	[tilespmem:$0x9100] =	vst v63  }
0x78: {  	_ =	swait.ge [sflag:s29], $0x4800  }
0x79: {  	[sflag:s29] =	ssyncset.done $0x0  }
0x7a: {  	[sflag:s29] =	ssyncadd.s32 $0xFFFFB800  }
0x7b: {  	_ =	swait.ge [sflag:s29], $0x4800  }
0x7c: {  	p0 =	sne.s32 s7, $0x1;
	[sflag:s29] =	ssyncset.done $0x0  }
.Ltmp0:
0x7d: {  	[sflag:s29] =	ssyncadd.s32 $0xFFFFB800;
	(pc) =	sbr.rel @p0 .LBB2_1-.Ltmp0, $4  }
0x7e: {  	[hbm4b:s6+s3] =	stream.linear.scatter [tilespmem:s10], [sflag:$0x2], $0x9000, $0x38;
	[tilespmem:$0x9100] =	vst v63  }
0x7f: {  	_ =	swait.ge [sflag:s8], $0x9000  }
0x80: {  	[sflag:s8] =	ssyncset.done $0x0  }
0x81: {  	s7 =	sadd.s32 $0xFFFFFFFF, s7;
	[sflag:s8] =	ssyncadd.s32 $0xFFFF7000  }
0x82: {  	_ =	sfence.sel $0x180000  }
0x83: {  	[bflag:$0x0] =	sbarrier.arrive $0xFFFF  }
0x84: {  	p0 =	sne.s32 s0, $0x0;
	_ =	strace $0x90000047  }
0x85: {  	s0 =	sadd.s32 @!p0 $0x100000, s2;
	[bflag:$0x2] =	sbarrier.arrive $0xFFFF  }
0x86: {  	[sflag:s0] =	ssyncadd.tile.s32 @!p0 $0x1;
	_ =	shalt  }
.Lfunc_end2:
_tile_overlayer_lowered:
.L_overlay_start_2:
0x87: {  	(tag) =	ssettag $0x2  }
0x88: {  	s0 =	rddreg [dreg:$0x0];
	s2 =	stileid.u32  }
0x89: {  	s1 =	rddreg [dreg:$0x1];
	p0 =	sne.s32 s2, $0x0  }
0x8a: {  	s3 =	rddreg [dreg:$0x2];
	[bflag:$0x3] =	sbarrier.arrive $0xFFFF;
	s2 =	simm.s32 @!p0 $0x1C02  }
0x8b: {  	[timem:s3], [sflag:s2] =	dma.local @!p0 [hbm:s0], s1  }
0x8c: {  	s0 =	simm.s32 @!p0 $0x2  }
0x8d: {  	_ =	swait.ge @!p0 [sflag:s0], s1  }
0x8e: {  	s1 =	ssub.s32 @!p0 $0x0, s1;
	[sflag:s0] =	ssyncset.done @!p0 $0x0  }
0x8f: {  	[sflag:s0] =	ssyncadd.s32 @!p0 s1  }
0x90: {  	[bflag:$0x3] =	sbarrier.arrive $0xFFFF  }
0x91: {  	_ =	shalt  }

</sc_bundles>
